<compile_context>
chip_gen: v7x
topology: tpu7x:2x2x1
jax: 0.10.2.dev20260603
libtpu: 0.0.44.dev20260713+nightly
codegen_flags: <defaults>
</compile_context>

<pallas_src>
import jax
import jax.numpy as jnp
from jax import lax
from jax.experimental import pallas as pl

_MAX_LEN = 512
_D = 64
_PK = 511
_BI = 8


def _tc_body(ctab_ref, out_ref):
    ib = pl.program_id(1)
    i0 = ib * _BI
    for u in range(_BI):
        par = (_MAX_LEN - 1 - u) % 2
        k = lax.shift_right_logical(_MAX_LEN - 1 - i0 - u, 1)
        out_ref[0, u] = ctab_ref[pl.ds(par * _PK + k, _MAX_LEN // 2), :]


def _build_tc_kernel(batch):
    return pl.pallas_call(
        _tc_body,
        grid=(batch, _MAX_LEN // _BI),
        in_specs=[pl.BlockSpec((2 * _PK, 2 * _D), lambda b, ib: (0, 0))],
        out_specs=pl.BlockSpec((1, _BI, _MAX_LEN // 2, 2 * _D),
                               lambda b, ib: (b, ib, 0, 0)),
        out_shape=jax.ShapeDtypeStruct(
            (batch, _MAX_LEN, _MAX_LEN // 2, 2 * _D), jnp.float32),
    )


def kernel(x, table):
    batch, seq_len = x.shape
    ftab = jnp.flip(table, axis=0)
    flat = jnp.concatenate(
        [ftab.reshape(-1), jnp.zeros(3 * _D, jnp.float32)])
    even = flat[: _PK * 2 * _D].reshape(_PK, 2 * _D)
    odd = flat[_D: _D + _PK * 2 * _D].reshape(_PK, 2 * _D)
    ctab = jnp.concatenate([even, odd])
    out = _build_tc_kernel(batch)(ctab)
    return out.reshape(batch, seq_len, seq_len, _D)

# --- scband reference (transcript-rebuilt; emitter-appended) ---
"""Pipeline reference for scband-relative-positional-embedding-20091857011094 (READ-ONLY COPY).

The authoritative reference and input builder live on the scoring server;
editing this copy changes nothing except your own understanding.
"""

import jax, jax.numpy as jnp
import numpy as np

MAX_LEN = 512
D_MODEL = 64

def setup_inputs(seed: int = 0) -> dict:
    key = jax.random.key(seed)
    k1, k2 = jax.random.split(key)
    x = jax.random.randint(k1, (4, 512), 0, 1000, dtype=jnp.int32)
    table = jax.random.normal(k2, (2 * MAX_LEN - 1, D_MODEL), dtype=jnp.float32)
    return {"x": x, "table": table}

def reference(x, table):
    seq_len = x.shape[1]
    position = jnp.arange(seq_len, dtype=jnp.int32)
    position = jnp.broadcast_to(position[None, :], x.shape)
    dists = position[:, :, None] - position[:, None, :]
    dists = dists + MAX_LEN - 1
    out = jnp.take(table, dists, axis=0)
    return out

if __name__ == "__main__":
    import jax
    _d = setup_inputs()
    print(jax.jit(kernel)(*tuple(_d.values())))

</pallas_src>

<mosaic_0001>
module attributes {stable_mosaic.version = 14 : i64} {
  func.func @_tc_body(%arg0: i32, %arg1: i32, %arg2: memref<1022x128xf32, #tpu.memory_space<vmem>>, %arg3: memref<1x8x256x128xf32, #tpu.memory_space<vmem>>) attributes {dimension_semantics = [#tpu.dimension_semantics<arbitrary>, #tpu.dimension_semantics<arbitrary>], iteration_bounds = array<i64: 4, 64>, scalar_prefetch = 0 : i64, scratch_operands = 0 : i64, tpu.core_type = #tpu.core_type<tc>, window_params = [{pipeline_mode = #tpu.pipeline_mode<synchronous>, transform_indices = @transform_0, window_bounds = array<i64: 1022, 128>}, {transform_indices = @transform_1, window_bounds = array<i64: 1, 8, 256, 128>}]} {
    %mul3A = arith.constant 8 : i32
    %mul3A_0 = arith.muli %arg1, %mul3A : i32
    %sub3A = arith.constant 511 : i32
    %sub3A_1 = arith.subi %sub3A, %mul3A_0 : i32
    %sub3A_2 = arith.constant 0 : i32
    %sub3A_3 = arith.subi %sub3A_1, %sub3A_2 : i32
    %shift_right_logical3A = arith.constant 1 : i32
    %shift_right_logical3A_4 = arith.shrui %sub3A_3, %shift_right_logical3A : i32
    %add3A = arith.constant 511 : i32
    %add3A_5 = arith.addi %add3A, %shift_right_logical3A_4 : i32
    %get3A = arith.index_cast %add3A_5 : i32 to index
    %get3A_6 = arith.constant 0 : index
    %get3A_7 = vector.load %arg2[%get3A, %get3A_6] : memref<1022x128xf32, #tpu.memory_space<vmem>>, vector<256x128xf32>
    %swap3A = arith.constant 0 : index
    %swap3A_8 = arith.constant 0 : index
    %swap3A_9 = arith.constant 0 : index
    %swap3A_10 = arith.constant 0 : index
    %swap3A_11 = vector.load %arg3[%swap3A, %swap3A_8, %swap3A_9, %swap3A_10] : memref<1x8x256x128xf32, #tpu.memory_space<vmem>>, vector<1x1x256x128xf32>
    %swap3A_12 = vector.shape_cast %swap3A_11 : vector<1x1x256x128xf32> to vector<256x128xf32>
    %swap3A_13 = vector.shape_cast %get3A_7 : vector<256x128xf32> to vector<1x1x256x128xf32>
    tpu.vector_store %arg3[%swap3A, %swap3A_8, %swap3A_9, %swap3A_10], %swap3A_13 {strides = array<i32>} : memref<1x8x256x128xf32, #tpu.memory_space<vmem>>, vector<1x1x256x128xf32>,
    %sub3A_14 = arith.constant 511 : i32
    %sub3A_15 = arith.subi %sub3A_14, %mul3A_0 : i32
    %sub3A_16 = arith.constant 1 : i32
    %sub3A_17 = arith.subi %sub3A_15, %sub3A_16 : i32
    %shift_right_logical3A_18 = arith.constant 1 : i32
    %shift_right_logical3A_19 = arith.shrui %sub3A_17, %shift_right_logical3A_18 : i32
    %add3A_20 = arith.constant 0 : i32
    %add3A_21 = arith.addi %add3A_20, %shift_right_logical3A_19 : i32
    %get3A_22 = arith.index_cast %add3A_21 : i32 to index
    %get3A_23 = arith.constant 0 : index
    %get3A_24 = vector.load %arg2[%get3A_22, %get3A_23] : memref<1022x128xf32, #tpu.memory_space<vmem>>, vector<256x128xf32>
    %swap3A_25 = arith.constant 0 : index
    %swap3A_26 = arith.constant 1 : index
    %swap3A_27 = arith.constant 0 : index
    %swap3A_28 = arith.constant 0 : index
    %swap3A_29 = vector.load %arg3[%swap3A_25, %swap3A_26, %swap3A_27, %swap3A_28] : memref<1x8x256x128xf32, #tpu.memory_space<vmem>>, vector<1x1x256x128xf32>
    %swap3A_30 = vector.shape_cast %swap3A_29 : vector<1x1x256x128xf32> to vector<256x128xf32>
    %swap3A_31 = vector.shape_cast %get3A_24 : vector<256x128xf32> to vector<1x1x256x128xf32>
    tpu.vector_store %arg3[%swap3A_25, %swap3A_26, %swap3A_27, %swap3A_28], %swap3A_31 {strides = array<i32>} : memref<1x8x256x128xf32, #tpu.memory_space<vmem>>, vector<1x1x256x128xf32>,
    %sub3A_32 = arith.constant 511 : i32
    %sub3A_33 = arith.subi %sub3A_32, %mul3A_0 : i32
    %sub3A_34 = arith.constant 2 : i32
    %sub3A_35 = arith.subi %sub3A_33, %sub3A_34 : i32
    %shift_right_logical3A_36 = arith.constant 1 : i32
    %shift_right_logical3A_37 = arith.shrui %sub3A_35, %shift_right_logical3A_36 : i32
    %add3A_38 = arith.constant 511 : i32
    %add3A_39 = arith.addi %add3A_38, %shift_right_logical3A_37 : i32
    %get3A_40 = arith.index_cast %add3A_39 : i32 to index
    %get3A_41 = arith.constant 0 : index
    %get3A_42 = vector.load %arg2[%get3A_40, %get3A_41] : memref<1022x128xf32, #tpu.memory_space<vmem>>, vector<256x128xf32>
    %swap3A_43 = arith.constant 0 : index
    %swap3A_44 = arith.constant 2 : index
    %swap3A_45 = arith.constant 0 : index
    %swap3A_46 = arith.constant 0 : index
    %swap3A_47 = vector.load %arg3[%swap3A_43, %swap3A_44, %swap3A_45, %swap3A_46] : memref<1x8x256x128xf32, #tpu.memory_space<vmem>>, vector<1x1x256x128xf32>
    %swap3A_48 = vector.shape_cast %swap3A_47 : vector<1x1x256x128xf32> to vector<256x128xf32>
    %swap3A_49 = vector.shape_cast %get3A_42 : vector<256x128xf32> to vector<1x1x256x128xf32>
    tpu.vector_store %arg3[%swap3A_43, %swap3A_44, %swap3A_45, %swap3A_46], %swap3A_49 {strides = array<i32>} : memref<1x8x256x128xf32, #tpu.memory_space<vmem>>, vector<1x1x256x128xf32>,
    %sub3A_50 = arith.constant 511 : i32
    %sub3A_51 = arith.subi %sub3A_50, %mul3A_0 : i32
    %sub3A_52 = arith.constant 3 : i32
    %sub3A_53 = arith.subi %sub3A_51, %sub3A_52 : i32
    %shift_right_logical3A_54 = arith.constant 1 : i32
    %shift_right_logical3A_55 = arith.shrui %sub3A_53, %shift_right_logical3A_54 : i32
    %add3A_56 = arith.constant 0 : i32
    %add3A_57 = arith.addi %add3A_56, %shift_right_logical3A_55 : i32
    %get3A_58 = arith.index_cast %add3A_57 : i32 to index
    %get3A_59 = arith.constant 0 : index
    %get3A_60 = vector.load %arg2[%get3A_58, %get3A_59] : memref<1022x128xf32, #tpu.memory_space<vmem>>, vector<256x128xf32>
    %swap3A_61 = arith.constant 0 : index
    %swap3A_62 = arith.constant 3 : index
    %swap3A_63 = arith.constant 0 : index
    %swap3A_64 = arith.constant 0 : index
    %swap3A_65 = vector.load %arg3[%swap3A_61, %swap3A_62, %swap3A_63, %swap3A_64] : memref<1x8x256x128xf32, #tpu.memory_space<vmem>>, vector<1x1x256x128xf32>
    %swap3A_66 = vector.shape_cast %swap3A_65 : vector<1x1x256x128xf32> to vector<256x128xf32>
    %swap3A_67 = vector.shape_cast %get3A_60 : vector<256x128xf32> to vector<1x1x256x128xf32>
    tpu.vector_store %arg3[%swap3A_61, %swap3A_62, %swap3A_63, %swap3A_64], %swap3A_67 {strides = array<i32>} : memref<1x8x256x128xf32, #tpu.memory_space<vmem>>, vector<1x1x256x128xf32>,
    %sub3A_68 = arith.constant 511 : i32
    %sub3A_69 = arith.subi %sub3A_68, %mul3A_0 : i32
    %sub3A_70 = arith.constant 4 : i32
    %sub3A_71 = arith.subi %sub3A_69, %sub3A_70 : i32
    %shift_right_logical3A_72 = arith.constant 1 : i32
    %shift_right_logical3A_73 = arith.shrui %sub3A_71, %shift_right_logical3A_72 : i32
    %add3A_74 = arith.constant 511 : i32
    %add3A_75 = arith.addi %add3A_74, %shift_right_logical3A_73 : i32
    %get3A_76 = arith.index_cast %add3A_75 : i32 to index
    %get3A_77 = arith.constant 0 : index
    %get3A_78 = vector.load %arg2[%get3A_76, %get3A_77] : memref<1022x128xf32, #tpu.memory_space<vmem>>, vector<256x128xf32>
    %swap3A_79 = arith.constant 0 : index
    %swap3A_80 = arith.constant 4 : index
    %swap3A_81 = arith.constant 0 : index
    %swap3A_82 = arith.constant 0 : index
    %swap3A_83 = vector.load %arg3[%swap3A_79, %swap3A_80, %swap3A_81, %swap3A_82] : memref<1x8x256x128xf32, #tpu.memory_space<vmem>>, vector<1x1x256x128xf32>
    %swap3A_84 = vector.shape_cast %swap3A_83 : vector<1x1x256x128xf32> to vector<256x128xf32>
    %swap3A_85 = vector.shape_cast %get3A_78 : vector<256x128xf32> to vector<1x1x256x128xf32>
    tpu.vector_store %arg3[%swap3A_79, %swap3A_80, %swap3A_81, %swap3A_82], %swap3A_85 {strides = array<i32>} : memref<1x8x256x128xf32, #tpu.memory_space<vmem>>, vector<1x1x256x128xf32>,
    %sub3A_86 = arith.constant 511 : i32
    %sub3A_87 = arith.subi %sub3A_86, %mul3A_0 : i32
    %sub3A_88 = arith.constant 5 : i32
    %sub3A_89 = arith.subi %sub3A_87, %sub3A_88 : i32
    %shift_right_logical3A_90 = arith.constant 1 : i32
    %shift_right_logical3A_91 = arith.shrui %sub3A_89, %shift_right_logical3A_90 : i32
    %add3A_92 = arith.constant 0 : i32
    %add3A_93 = arith.addi %add3A_92, %shift_right_logical3A_91 : i32
    %get3A_94 = arith.index_cast %add3A_93 : i32 to index
    %get3A_95 = arith.constant 0 : index
    %get3A_96 = vector.load %arg2[%get3A_94, %get3A_95] : memref<1022x128xf32, #tpu.memory_space<vmem>>, vector<256x128xf32>
    %swap3A_97 = arith.constant 0 : index
    %swap3A_98 = arith.constant 5 : index
    %swap3A_99 = arith.constant 0 : index
    %swap3A_100 = arith.constant 0 : index
    %swap3A_101 = vector.load %arg3[%swap3A_97, %swap3A_98, %swap3A_99, %swap3A_100] : memref<1x8x256x128xf32, #tpu.memory_space<vmem>>, vector<1x1x256x128xf32>
    %swap3A_102 = vector.shape_cast %swap3A_101 : vector<1x1x256x128xf32> to vector<256x128xf32>
    %swap3A_103 = vector.shape_cast %get3A_96 : vector<256x128xf32> to vector<1x1x256x128xf32>
    tpu.vector_store %arg3[%swap3A_97, %swap3A_98, %swap3A_99, %swap3A_100], %swap3A_103 {strides = array<i32>} : memref<1x8x256x128xf32, #tpu.memory_space<vmem>>, vector<1x1x256x128xf32>,
    %sub3A_104 = arith.constant 511 : i32
    %sub3A_105 = arith.subi %sub3A_104, %mul3A_0 : i32
    %sub3A_106 = arith.constant 6 : i32
    %sub3A_107 = arith.subi %sub3A_105, %sub3A_106 : i32
    %shift_right_logical3A_108 = arith.constant 1 : i32
    %shift_right_logical3A_109 = arith.shrui %sub3A_107, %shift_right_logical3A_108 : i32
    %add3A_110 = arith.constant 511 : i32
    %add3A_111 = arith.addi %add3A_110, %shift_right_logical3A_109 : i32
    %get3A_112 = arith.index_cast %add3A_111 : i32 to index
    %get3A_113 = arith.constant 0 : index
    %get3A_114 = vector.load %arg2[%get3A_112, %get3A_113] : memref<1022x128xf32, #tpu.memory_space<vmem>>, vector<256x128xf32>
    %swap3A_115 = arith.constant 0 : index
    %swap3A_116 = arith.constant 6 : index
    %swap3A_117 = arith.constant 0 : index
    %swap3A_118 = arith.constant 0 : index
    %swap3A_119 = vector.load %arg3[%swap3A_115, %swap3A_116, %swap3A_117, %swap3A_118] : memref<1x8x256x128xf32, #tpu.memory_space<vmem>>, vector<1x1x256x128xf32>
    %swap3A_120 = vector.shape_cast %swap3A_119 : vector<1x1x256x128xf32> to vector<256x128xf32>
    %swap3A_121 = vector.shape_cast %get3A_114 : vector<256x128xf32> to vector<1x1x256x128xf32>
    tpu.vector_store %arg3[%swap3A_115, %swap3A_116, %swap3A_117, %swap3A_118], %swap3A_121 {strides = array<i32>} : memref<1x8x256x128xf32, #tpu.memory_space<vmem>>, vector<1x1x256x128xf32>,
    %sub3A_122 = arith.constant 511 : i32
    %sub3A_123 = arith.subi %sub3A_122, %mul3A_0 : i32
    %sub3A_124 = arith.constant 7 : i32
    %sub3A_125 = arith.subi %sub3A_123, %sub3A_124 : i32
    %shift_right_logical3A_126 = arith.constant 1 : i32
    %shift_right_logical3A_127 = arith.shrui %sub3A_125, %shift_right_logical3A_126 : i32
    %add3A_128 = arith.constant 0 : i32
    %add3A_129 = arith.addi %add3A_128, %shift_right_logical3A_127 : i32
    %get3A_130 = arith.index_cast %add3A_129 : i32 to index
    %get3A_131 = arith.constant 0 : index
    %get3A_132 = vector.load %arg2[%get3A_130, %get3A_131] : memref<1022x128xf32, #tpu.memory_space<vmem>>, vector<256x128xf32>
    %swap3A_133 = arith.constant 0 : index
    %swap3A_134 = arith.constant 7 : index
    %swap3A_135 = arith.constant 0 : index
    %swap3A_136 = arith.constant 0 : index
    %swap3A_137 = vector.load %arg3[%swap3A_133, %swap3A_134, %swap3A_135, %swap3A_136] : memref<1x8x256x128xf32, #tpu.memory_space<vmem>>, vector<1x1x256x128xf32>
    %swap3A_138 = vector.shape_cast %swap3A_137 : vector<1x1x256x128xf32> to vector<256x128xf32>
    %swap3A_139 = vector.shape_cast %get3A_132 : vector<256x128xf32> to vector<1x1x256x128xf32>
    tpu.vector_store %arg3[%swap3A_133, %swap3A_134, %swap3A_135, %swap3A_136], %swap3A_139 {strides = array<i32>} : memref<1x8x256x128xf32, #tpu.memory_space<vmem>>, vector<1x1x256x128xf32>,
    return
  }
  func.func @transform_0(%arg0: i32, %arg1: i32) -> (i32, i32) {
    %c0_i32 = arith.constant 0 : i32
    %c0_i32_0 = arith.constant 0 : i32
    %c0_i32_1 = arith.constant 0 : i32
    return %c0_i32, %c0_i32_0 : i32, i32
  }
  func.func @transform_1(%arg0: i32, %arg1: i32) -> (i32, i32, i32, i32) {
    %c0_i32 = arith.constant 0 : i32
    %c0_i32_0 = arith.constant 0 : i32
    %c0_i32_1 = arith.constant 0 : i32
    return %arg0, %arg1, %c0_i32, %c0_i32_0 : i32, i32, i32, i32
  }
}

</mosaic_0001>

<sc_bundles>
// kernel: sparse-core-data-format-call.cloned.1.call-start
scs
called_computation_lowered:
.L_overlay_start_0:
0x0: {  	s2 =	sld [smem:$0x3FD9]  }
0x1: {  	s3 =	sld [smem:$0x3FFE];
	_ =	sdelay $0x1  }
0x2: {  	s1 =	srdreg.scid  }
0x3: {  	s0 =	sand.u32 $0x1, s1  }
0x4: {  	s18 =	sshll.u32 s0, $0xA;
	s2 =	sadd.s32 s3, s2  }
0x5: {  	s2 =	sadd.s32 s2, s18  }
0x6: {  	[smem:$0x3FC7] =	sst s2  }
0x7: {  	_ = 	snop  }
0x8: {  	s2 =	sld [smem:$0x3FD0];
	(tm) =	ssettm $0x1  }
0x9: {  	s19 =	sld [smem:$0x3FFB];
	_ =	sdelay $0x3  }
0xa: {  	_ =	strace s19  }
0xb: {  	s3 =	sld [smem:$0x3FFC];
	_ =	sdelay $0x3  }
0xc: {  	_ =	strace s3  }
0xd: {  	s3 =	sld [smem:$0x3FFD];
	_ =	sdelay $0x3  }
0xe: {  	_ =	strace s3  }
0xf: {  	_ =	strace $0x8FFFFFFF  }
0x10: {  	s20 =	sld [smem:$0x3FDB];
	_ =	sdelay $0x1  }
0x11: {  	s4 =	simm.s32 $_scs_section_size  }
0x12: {  	s5 =	simm.s32 $_size__tile_overlayer_lowered;
	s6 =	simm.s32 $_tile_overlayer_lowered  }
0x13: {  	s23 =	simm.s32 $0x1BFF;
	s22 =	sshll.u32 s6, $0x1;
	s3 =	sadd.s32 s4, s20  }
0x14: {  	s7 =	simm.s32 $0x0;
	s21 =	sshll.u32 s5, $0x1;
	s5 =	sadd.s32 s22, s3  }
0x15: {  	[timem:s7], [sflag:s23] =	dma.local [hbm:s5], s21  }
0x16: {  	_ =	swait.ge [sflag:s23], s21  }
0x17: {  	s4 =	ssub.s32 $0x0, s21;
	[sflag:s23] =	ssyncset.done $0x0  }
0x18: {  	[sflag:s23] =	ssyncadd.s32 s4;
	_ =	sdelay $0x1  }
0x19: {  	s24 =	simm.s32 $0x1B8B  }
0x1a: {  	_ =	swait.ge [sflag:s24], $0x1  }
0x1b: {  	[sflag:s24] =	ssyncset.done $0x0  }
0x1c: {  	s26 =	simm.s32 $0x1B8E;
	s25 =	sld [smem:$0x3FFE];
	[sflag:s24] =	ssyncadd.s32 $0xFFFFFFFF  }
0x1d: {  	s27 =	simm.s32 $execute0_lowered;
	[smem:$0x3FD2] =	sst s26  }
0x1e: {  	s5 =	sshll.u32 s27, $0x1;
	_ =	strace $0x80000046;
	[dreg:$0x1] =	wrdreg $0xFFFFFFFF  }
0x1f: {  	s28 =	simm.s32 $_size_execute0_lowered;
	s3 =	sadd.s32 s3, s5;
	[dreg:$0x0] =	wrdreg $0x0  }
0x20: {  	s5 =	sshll.u32 s28, $0x1;
	[dreg:$0x2] =	wrdreg s3  }
0x21: {  	[dreg:$0x3] =	wrdreg s5  }
0x22: {  	[dreg:$0x4] =	wrdreg $0xC0  }
0x23: {  	_ =	task [dreg:s7], $0x5FFFF  }
0x24: {  	[dreg:$0x1] =	wrdreg $0xFFFFFFFF  }
0x25: {  	[dreg:$0x0] =	wrdreg $0x60  }
0x26: {  	[dreg:$0x2] =	wrdreg s25  }
0x27: {  	[dreg:$0x3] =	wrdreg s2  }
0x28: {  	[dreg:$0x4] =	wrdreg $0x9  }
0x29: {  	_ =	task.clear_ibuf [dreg:s7], $0x5FFFF;
	_ =	strace $0x90000046  }
0x2a: {  	s29 =	simm.s32 $0x9;
	_ =	strace $0x80000048  }
0x2b: {  	_ =	swait.ge [sflag:s29], $0x1  }
0x2c: {  	[sflag:s29] =	ssyncadd.s32 $0xFFFFFFFF  }
0x2d: {  	_ =	strace $0x90000048  }
0x2e: {  	_ =	sfence  }
0x2f: {  	s30 =	sld [smem:$0x0];
	_ =	sdelay $0x2  }
0x30: {  	s31 =	sshll.u32 s1, $0xD;
	s1 =	sshrl.u32 s1, $0x2  }
0x31: {  	s3 =	sand.u32 $0x4000, s31;
	s1 =	sadd.s32 s1, s30  }
0x32: {  	s0 =	sor.u32 s3, s0;
	s1 =	sshll.u32 s1, $0x11  }
0x33: {  	s0 =	sor.u32 s1, s0  }
0x34: {  	s0 =	sadd.s32 $0x8F2B, s0  }
0x35: {  	[sflag:s0] =	ssyncadd.remote.s32 $0x1  }
0x36: {  	_ =	sfence.sel $0xFFFF  }
0x37: {  	[dreg:$0x0] =	wrdreg $0xFFFFFFFF;
	(pc) =	sbr.abs _section_cstart, $3  }
0x38: {  	[dreg:$0x1] =	wrdreg $0xFFFFFFFF  }
0x39: {  	_ =	task.clear_ibuf [dreg:s7], $0x2FFFF;
	_ =	strace $0x9FFFFFFF  }
0x3a: {  	(tm) =	ssettm $0x7FFFFFFF  }
0x3b: {  	_ =	shalt  }
tec
execute0_lowered:
.L_overlay_start_1:
0x0: {  	(tag) =	ssettag $0x1  }
0x1: {  	s0 =	stileid.u32;
	s6 =	rddreg [dreg:$0x0]  }
0x2: {  	s2 =	srdreg.scid;
	s3 =	rddreg [dreg:$0x1]  }
0x3: {  	s7 =	simm.s32 $0x1;
	s31 =	simm.s32 $0x2;
	s16 =	simm.s32 $0x0  }
0x4: {  	s10 =	simm.s32 $0x8000;
	s19 =	simm.s32 $0x0;
	s1 =	sshll.u32 s0, $0x5  }
0x5: {  	s17 =	simm.s32 $0x0;
	s18 =	simm.s32 $0x0;
	s1 =	sand.u32 $0x180, s1  }
0x6: {  	s11 =	simm.s32 $0x0;
	s15 =	simm.s32 $0x0;
	s5 =	ssub.s32 $0x200, s1  }
0x7: {  	s4 =	sand.u32 $0x1, s2;
	s2 =	rddreg [dreg:$0x2];
	s30 =	sand.u32 $0x180, s5  }
0x8: {  	_ =	strace $0x80000047;
	s8 =	ssub.s32 $0x40, s4;
	p0 =	sne.s32 s30, $0x0  }
0x9: {  	s9 =	sshrl.u32 s8, $0x1;
	s5 =	sshrl.u32 s5, $0x9;
	s7 =	simm.s32 @!p0 $0x0  }
.Ltmp0:
0xa: {  	s8 =	ssub.s32 s8, s9;
	s7 =	sadd.s32 s7, s5;
	(pc) =	sbr.rel .LBB1_1-.Ltmp0, $4  }
0xb: {  	s6 =	sadd.s32 $0x400, s6;
	s12 =	smov.u32 s4;
	s8 =	smul.u32 s7, s8  }
0xc: {  	s13 =	smov.u32 s1;
	p0 =	por $0x0, $0x0;
	s5 =	simm.s32 $0x1  }
0xd: {  	[sflag:s5] =	ssyncpa.u1 $0x0;
	s7 =	sand.u32 $0x3, s0;
	s8 =	sshll.u32 s8, $0x2  }
0xe: {  	[sflag:s31] =	ssyncpa.u1 $0x0;
	s14 =	smov.u32 s7;
	s9 =	sor.u32 $0x1, s8  }
.LBB1_4:
0xf: {  	v5 =	vld [tilespmem:s22+$0xFFFFFFD0];
	[tilespmem:s23+$0x2040 ss:$0x81] =	vst.msk $0xffff, v1  }
0x10: {  	v58 =	vld [tilespmem:s22+$0xFFFFFFE0];
	[tilespmem:s23+$0x2850 ss:$0x81] =	vst.msk $0xffff, v2  }
0x11: {  	s24 =	sshra.s32 s24, $0x2;
	v59 =	vld [tilespmem:s22+$0xFFFFFFF0];
	[tilespmem:s23+$0x3060 ss:$0x81] =	vst.msk $0xffff, v3  }
0x12: {  	v60 =	vld [tilespmem:s22+$0x0];
	[tilespmem:s23+$0x0 ss:$0x81] =	vst.msk $0xffff, v0;
	s21 =	sadd.s32 s24, s21  }
0x13: {  	v61 =	vld [tilespmem:s22+$0x10];
	s31 =	sand.u32 $0x78, s17;
	s26 =	sshll.u32 s19, $0x9;
	s25 =	sshll.u32 s17, $0x3;
	[tilespmem:s21+$0x3870 ss:$0x81] =	vst.msk $0xffff, v4  }
0x14: {  	v62 =	vld [tilespmem:s22+$0x20];
	s27 =	sshll.u32 s19, $0x7;
	s18 =	sshll.u32 s18, $0x15;
	s16 =	sshll.u32 s16, $0xC;
	[tilespmem:s21+$0x810 ss:$0x81] =	vst.msk $0xffff, v5  }
0x15: {  	v63 =	vld [tilespmem:s22+$0xFFFFFFC0];
	s30 =	sand.u32 $0x7, s17;
	s24 =	sand.u32 $0x7000, s26;
	s25 =	sand.u32 $0x7C00, s25;
	[tilespmem:s21+$0x1020 ss:$0x81] =	vst.msk $0xffff, v58  }
0x16: {  	s29 =	sand.u32 $0x200, s27;
	s19 =	sand.u32 $0x180, s27;
	s28 =	sadd.s32 s25, s24;
	[tilespmem:s21+$0x1830 ss:$0x81] =	vst.msk $0xffff, v59  }
0x17: {  	s18 =	sadd.s32 s3, s18;
	s19 =	sor.u32 s31, s19;
	s22 =	sor.u32 s29, s28;
	[tilespmem:s21+$0x2040 ss:$0x81] =	vst.msk $0xffff, v60  }
0x18: {  	s16 =	sadd.s32 s16, s18;
	s19 =	sshrl.u32 s19, $0x3;
	s22 =	sshrl.u32 s22, $0x3;
	[tilespmem:s21+$0x2850 ss:$0x81] =	vst.msk $0xffff, v61  }
0x19: {  	s17 =	sshll.u32 s30, $0x12;
	s16 =	sadd.s32 s19, s16;
	[tilespmem:s21+$0x3060 ss:$0x81] =	vst.msk $0xffff, v62;
	s31 =	sand.u32 $0xFC0, s22  }
0x1a: {  	s17 =	sor.u32 $0x80, s17;
	[tilespmem:s21+$0x0 ss:$0x81] =	vst.msk $0xffff, v63;
	s16 =	sadd.s32 s31, s16  }
0x1b: {  	[hbm4b:s16+s17] =	stream.strided.scatter [tilespmem:s20], [sflag:$0x2], $0x4000, s10, s17, $0x20;
	[tilespmem:$0x10100] =	vst v63  }
.LBB1_5:
0x1c: {  	s20 =	sadd.s32 $0x80, s11  }
0x1d: {  	s16 =	sadd.s32 $0x2, s12;
	s21 =	smov.u32 s12;
	p2 =	sgt.s32 s20, $0x1FF  }
0x1e: {  	s21 =	smov.u32 @p2 s16  }
0x1f: {  	s22 =	smov.u32 s13;
	s16 =	sadd.s32 $0x200, s13;
	p3 =	sgt.s32 s21, $0x3F  }
0x20: {  	s22 =	smov.u32 @p3 s16  }
0x21: {  	s23 =	smov.u32 s14;
	s16 =	sadd.s32 $0x4, s14;
	p4 =	sgt.s32 s22, $0x1FF  }
0x22: {  	p1 =	slt.u32 s15, $0x2;
	s23 =	smov.u32 @p4 s16  }
0x23: {  	s19 =	smov.u32 s12;
	s20 =	simm.s32 @p2 $0x0;
	p2 =	sgt.s32 s23, $0x3  }
0x24: {  	s24 =	simm.s32 @!p1 $0x2;
	s23 =	smov.u32 @p2 s7;
	p2 =	sne.s32 s15, s9  }
.Ltmp1:
0x25: {  	s17 =	smov.u32 s13;
	_ =	swait.ge @!p1 [sflag:s24], $0x4000;
	(pc) =	sbr.rel @!p2 .LBB1_6-.Ltmp1, $4  }
0x26: {  	s18 =	smov.u32 s14;
	[sflag:s24] =	ssyncset.done @!p1 $0x0;
	s21 =	smov.u32 @p3 s4  }
0x27: {  	p0 =	por !p0, !p0;
	[sflag:s24] =	ssyncadd.s32 @!p1 $0xFFFFC000;
	s12 =	smov.u32 s21  }
0x28: {  	s22 =	smov.u32 @p4 s1;
	s16 =	smov.u32 s11;
	s11 =	smov.u32 s20  }
0x29: {  	s13 =	smov.u32 s22;
	s15 =	sadd.s32 $0x1, s15;
	s14 =	smov.u32 s23  }
.LBB1_1:
0x2a: {  	p1 =	sge.u32 s15, s8;
	s31 =	sadd.s32 $0xFFFFFFFF, s15  }
0x2b: {  	s20 =	sxor.u32 @!p1 $0xFFFFFFFF, s15;
	s21 =	sand.u32 @!p1 $0x78, s11;
	s22 =	sshll.u32 @!p1 s12, $0x9  }
0x2c: {  	s23 =	sshll.u32 @!p1 s11, $0x3;
	s24 =	sshll.u32 @!p1 s12, $0x7;
	s20 =	sshll.u32 @!p1 s20, $0xE  }
0x2d: {  	s22 =	sand.u32 @!p1 $0x7000, s22;
	s23 =	sand.u32 @!p1 $0x7C00, s23;
	s20 =	sand.u32 @!p1 $0x4000, s20  }
0x2e: {  	s22 =	sadd.s32 @!p1 s22, s23;
	s23 =	sand.u32 @!p1 $0x200, s24;
	s24 =	sand.u32 @!p1 $0x180, s24  }
0x2f: {  	s22 =	sor.u32 @!p1 s23, s22;
	s21 =	sor.u32 @!p1 s21, s24;
	s23 =	sshll.u32 @!p1 s14, $0x15  }
0x30: {  	s24 =	sshll.u32 @!p1 s13, $0xC;
	s22 =	sshrl.u32 @!p1 s22, $0x3;
	s23 =	sadd.s32 @!p1 s6, s23  }
0x31: {  	s21 =	sshrl.u32 @!p1 s21, $0x3;
	s23 =	sadd.s32 @!p1 s24, s23;
	s24 =	sand.u32 @!p1 $0x7, s11  }
0x32: {  	s22 =	sand.u32 @!p1 $0xFC0, s22;
	s21 =	sadd.s32 @!p1 s21, s23;
	s23 =	sshll.u32 @!p1 s24, $0x12  }
0x33: {  	s21 =	sadd.s32 @!p1 s22, s21;
	s22 =	sor.u32 @!p1 $0x80, s23;
	s23 =	simm.s32 @!p1 $0x8000  }
0x34: {  	[tilespmem:s20], [sflag:$0x1] =	stream.strided.gather @!p1 [hbm4b:s21+s22], $0x4000, s23, s22, $0x38;
	[tilespmem:$0x10100] =	vst v63  }
0x35: {  	p1 =	sge.u32 s31, s8  }
.Ltmp2:
0x36: {  	_ = 	snop;
	(pc) =	sbr.rel @p1 .LBB1_5-.Ltmp2, $1  }
0x37: {  	_ =	sdelay $0x3  }
0x38: {  	s20 =	simm.s32 $0x1  }
0x39: {  	_ =	swait.ge [sflag:s5], $0x4000;
	s20 =	simm.s32 @!p0 $0x0  }
0x3a: {  	[sflag:s5] =	ssyncset.done $0x0;
	s21 =	sshll.u32 s20, $0xE  }
0x3b: {  	[sflag:s5] =	ssyncadd.s32 $0xFFFFC000;
	s22 =	sor.u32 $0x40, s21  }
0x3c: {  	s20 =	smul.u32 $0x10200, s20;
	v0 =	vld [tilespmem:s22+$0x30]  }
0x3d: {  	v3 =	vld [tilespmem:s22+$0xFFFFFFD0]  }
0x3e: {  	s20 =	sshrl.u32 s20, $0x2;
	v4 =	vld [tilespmem:s22+$0xFFFFFFE0]  }
0x3f: {  	v5 =	vld [tilespmem:s22+$0xFFFFFFF0];
	s21 =	sor.u32 $0x8000, s20  }
0x40: {  	s31 =	sand.u32 $0x1, s15;
	v1 =	vld [tilespmem:s22+$0x0];
	s23 =	sadd.s32 $0x0, s21  }
0x41: {  	v2 =	vld [tilespmem:s22+$0x10];
	s20 =	smul.u32 $0x10200, s31;
	[tilespmem:s23+$0x3870 ss:$0x81] =	vst.msk $0xffff, v0  }
0x42: {  	[tilespmem:s23+$0x810 ss:$0x81] =	vst.msk $0xffff, v3;
	v3 =	vld [tilespmem:s22+$0x20]  }
0x43: {  	s20 =	sshrl.u32 s20, $0x2;
	v0 =	vld [tilespmem:s22+$0xFFFFFFC0];
	[tilespmem:s23+$0x1020 ss:$0x81] =	vst.msk $0xffff, v4;
	s22 =	sadd.s32 $0x80, s22  }
0x44: {  	s24 =	simm.s32 $0x4;
	s25 =	simm.s32 $0x8;
	s20 =	sor.u32 $0x8000, s20;
	[tilespmem:s23+$0x1830 ss:$0x81] =	vst.msk $0xffff, v5;
	v4 =	vld [tilespmem:s22+$0x30]  }
.LBB1_3:
0x45: {  	p1 =	sne.s32 s25, $0x1FC;
	v5 =	vld [tilespmem:s22+$0xFFFFFFD0];
	[tilespmem:s23+$0x2040 ss:$0x81] =	vst.msk $0xffff, v1  }
0x46: {  	v6 =	vld [tilespmem:s22+$0xFFFFFFE0];
	[tilespmem:s23+$0x2850 ss:$0x81] =	vst.msk $0xffff, v2  }
0x47: {  	s26 =	sshra.s32 s24, $0x2;
	s24 =	smov.u32 s25;
	v7 =	vld [tilespmem:s22+$0xFFFFFFF0];
	[tilespmem:s23+$0x3060 ss:$0x81] =	vst.msk $0xffff, v3  }
.Ltmp3:
0x48: {  	v1 =	vld [tilespmem:s22+$0x0];
	[tilespmem:s23+$0x0 ss:$0x81] =	vst.msk $0xffff, v0;
	s23 =	sadd.s32 s26, s21;
	(pc) =	sbr.rel @p1 .LBB1_3-.Ltmp3, $4  }
0x49: {  	v2 =	vld [tilespmem:s22+$0x10];
	[tilespmem:s23+$0x3870 ss:$0x81] =	vst.msk $0xffff, v4  }
0x4a: {  	[tilespmem:s23+$0x810 ss:$0x81] =	vst.msk $0xffff, v5;
	v3 =	vld [tilespmem:s22+$0x20]  }
0x4b: {  	v0 =	vld [tilespmem:s22+$0xFFFFFFC0];
	[tilespmem:s23+$0x1020 ss:$0x81] =	vst.msk $0xffff, v6;
	s22 =	sadd.s32 $0x80, s22  }
0x4c: {  	s25 =	sadd.s32 $0x4, s25;
	v4 =	vld [tilespmem:s22+$0x30];
	[tilespmem:s23+$0x1830 ss:$0x81] =	vst.msk $0xffff, v7  }
.Ltmp4:
0x4d: {  	_ = 	snop;
	(pc) =	sbr.rel .LBB1_4-.Ltmp4, $1  }
0x4e: {  	_ =	sdelay $0x3  }
.LBB1_6:
0x4f: {  	_ =	sfence.sel $0x180000  }
0x50: {  	s1 =	simm.s32 $0x1;
	[bflag:$0x0] =	sbarrier.arrive $0xFFFF  }
0x51: {  	s31 =	simm.s32 $0x2;
	[sflag:s1] =	ssyncpa.u1 $0x1  }
0x52: {  	[sflag:s31] =	ssyncpa.u1 $0x1  }
0x53: {  	p0 =	sne.s32 s0, $0x0;
	_ =	strace $0x90000047  }
0x54: {  	s0 =	sadd.s32 @!p0 $0x100000, s2;
	[bflag:$0x2] =	sbarrier.arrive $0xFFFF  }
0x55: {  	[sflag:s0] =	ssyncadd.tile.s32 @!p0 $0x1;
	_ =	shalt  }
.Lfunc_end1:
_tile_overlayer_lowered:
.L_overlay_start_2:
0x56: {  	(tag) =	ssettag $0x2  }
0x57: {  	s0 =	rddreg [dreg:$0x0];
	s2 =	stileid.u32  }
0x58: {  	s1 =	rddreg [dreg:$0x1];
	p0 =	sne.s32 s2, $0x0  }
0x59: {  	s3 =	rddreg [dreg:$0x2];
	[bflag:$0x3] =	sbarrier.arrive $0xFFFF;
	s2 =	simm.s32 @!p0 $0x1C01  }
0x5a: {  	[timem:s3], [sflag:s2] =	dma.local @!p0 [hbm:s0], s1  }
0x5b: {  	s0 =	simm.s32 @!p0 $0x1  }
0x5c: {  	_ =	swait.ge @!p0 [sflag:s0], s1  }
0x5d: {  	s1 =	ssub.s32 @!p0 $0x0, s1;
	[sflag:s0] =	ssyncset.done @!p0 $0x0  }
0x5e: {  	[sflag:s0] =	ssyncadd.s32 @!p0 s1  }
0x5f: {  	[bflag:$0x3] =	sbarrier.arrive $0xFFFF  }
0x60: {  	_ =	shalt  }

</sc_bundles>
